<compile_context>
chip_gen: v7x
topology: tpu7x:2x2x1
jax: 0.10.2.dev20260603
libtpu: 0.0.44.dev20260713+nightly
codegen_flags: <defaults>
</compile_context>

<pallas_src>
import jax
import jax.numpy as jnp
from jax import lax
from jax.experimental import pallas as pl
from jax.experimental.pallas import tpu as pltpu
from jax.experimental.pallas import tpu_sc as plsc

VOCAB = 100000
EMBED_DIM = 128
BATCH = 4096
MAX_LEN = 200

NC = 2
NS = 16
NW = NC * NS
N = BATCH * MAX_LEN
N_PER_W = N // NW
CH = 128
NCH = N_PER_W // CH
NBUF = 4
NGRP = NCH // NBUF


def _make_kernel():
    mesh = plsc.VectorSubcoreMesh(core_axis_name="c", subcore_axis_name="s")

    def body(idx_hbm, table_hbm, out_hbm, idx_v, *refs):
        rows = refs[:NBUF]
        gsems = refs[NBUF:2 * NBUF]
        osems = refs[2 * NBUF:3 * NBUF]
        wid = lax.axis_index("s") * NC + lax.axis_index("c")
        idx_base = wid * NCH
        out_base = wid * N_PER_W

        pltpu.sync_copy(idx_hbm.at[pl.ds(idx_base, NCH)], idx_v)

        def start_gather(j, b):
            pltpu.async_copy(table_hbm.at[idx_v.at[j]], rows[b], gsems[b])

        def wait_gather(b):
            pltpu.make_async_copy(table_hbm.at[pl.ds(0, CH)], rows[b],
                                  gsems[b]).wait()

        def start_out(j, b):
            pltpu.async_copy(rows[b], out_hbm.at[pl.ds(out_base + j * CH, CH)],
                             osems[b])

        def wait_out(b):
            pltpu.make_async_copy(rows[b], out_hbm.at[pl.ds(out_base, CH)],
                                  osems[b]).wait()

        for b in range(NBUF):
            start_gather(b, b)

        def g_body(g, carry):
            for b in range(NBUF):
                j = g * NBUF + b
                wait_gather(b)
                start_out(j, b)
                wait_out(b)
                start_gather(j + NBUF, b)
            return carry

        lax.fori_loop(0, NGRP - 1, g_body, 0)

        for b in range(NBUF):
            j = (NGRP - 1) * NBUF + b
            wait_gather(b)
            start_out(j, b)
        for b in range(NBUF):
            wait_out(b)

    kern = pl.kernel(
        body,
        mesh=mesh,
        out_type=jax.ShapeDtypeStruct((N, EMBED_DIM), jnp.float32),
        scratch_types=(
            [pltpu.VMEM((NCH, CH), jnp.int32)]
            + [pltpu.VMEM((CH, EMBED_DIM), jnp.float32) for _ in range(NBUF)]
            + [pltpu.SemaphoreType.DMA for _ in range(2 * NBUF)]
        ),
    )
    return kern


_sc_gather = _make_kernel()


def kernel(input_texts, table):
    idx = input_texts.reshape(NW * NCH, CH)
    out = _sc_gather(idx, table)
    return out.reshape(BATCH, MAX_LEN, EMBED_DIM)

# --- scband reference (transcript-rebuilt; emitter-appended) ---
"""Pipeline reference for scband-word-embedding-38663295598740 (READ-ONLY COPY).

The authoritative reference and input builder live on the scoring server;
editing this copy changes nothing except your own understanding.
"""

import jax, jax.numpy as jnp
import numpy as np

VOCAB = 100000
EMBED_DIM = 128
BATCH = 4096
MAX_LEN = 200
PAD_IDX = 0


def setup_inputs(seed: int = 0) -> dict:
    key = jax.random.key(seed)
    k1, k2 = jax.random.split(key)
    input_texts = jax.random.randint(k1, (BATCH, MAX_LEN), 0, VOCAB, dtype=jnp.int64 if jax.config.jax_enable_x64 else jnp.int32).astype(jnp.int32)
    table = jax.random.normal(k2, (VOCAB, EMBED_DIM), dtype=jnp.float32)
    # nn.Embedding with padding_idx initializes the pad row to zeros
    table = table.at[PAD_IDX].set(0.0)
    return {"input_texts": input_texts, "table": table}


def reference(input_texts, table):
    # Original forward: pad each sequence to max_length (inputs here are
    # already padded int id tensors of shape [B, max_length]), then perform
    # an embedding lookup. padding_idx row is forced to zero (as in
    # nn.Embedding semantics). Dropout is identity in eval mode.
    table_eff = table.at[PAD_IDX].set(0.0)
    out = jnp.take(table_eff, input_texts, axis=0)  # [B, L, D]
    return out

if __name__ == "__main__":
    import jax
    _d = setup_inputs()
    print(jax.jit(kernel)(*tuple(_d.values())))

</pallas_src>

<mosaic_0001>
#map = affine_map<(d0, d1) -> (0, 0)>
module attributes {stable_mosaic.version = 14 : i64} {
  func.func @body(%arg0: i32, %arg1: i32, %arg2: memref<6400x128xi32, #tpu.memory_space<hbm>>, %arg3: memref<100000x128xf32, #tpu.memory_space<hbm>>, %arg4: memref<819200x128xf32, #tpu.memory_space<hbm>>, %arg5: memref<200x128xi32, #tpu.memory_space<vmem>>, %arg6: memref<128x128xf32, #tpu.memory_space<vmem>>, %arg7: memref<128x128xf32, #tpu.memory_space<vmem>>, %arg8: memref<128x128xf32, #tpu.memory_space<vmem>>, %arg9: memref<128x128xf32, #tpu.memory_space<vmem>>, %arg10: memref<!tpu.dma_semaphore, #tpu.memory_space<semaphore_mem>>, %arg11: memref<!tpu.dma_semaphore, #tpu.memory_space<semaphore_mem>>, %arg12: memref<!tpu.dma_semaphore, #tpu.memory_space<semaphore_mem>>, %arg13: memref<!tpu.dma_semaphore, #tpu.memory_space<semaphore_mem>>, %arg14: memref<!tpu.dma_semaphore, #tpu.memory_space<semaphore_mem>>, %arg15: memref<!tpu.dma_semaphore, #tpu.memory_space<semaphore_mem>>, %arg16: memref<!tpu.dma_semaphore, #tpu.memory_space<semaphore_mem>>, %arg17: memref<!tpu.dma_semaphore, #tpu.memory_space<semaphore_mem>>) attributes {dimension_semantics = [#tpu.dimension_semantics<core_parallel>, #tpu.dimension_semantics<subcore_parallel>], iteration_bounds = array<i64: 2, 16>, scalar_prefetch = 0 : i64, scratch_operands = 13 : i64, tpu.core_type = #tpu.core_type<sc_vector_subcore>, window_params = [{transform_indices = #map}, {transform_indices = #map}, {transform_indices = #map}]} {
    %mul3A = arith.constant 2 : i32
    %mul3A_0 = arith.muli %arg1, %mul3A : i32
    %add3A = arith.addi %mul3A_0, %arg0 : i32
    %mul3A_1 = arith.constant 200 : i32
    %mul3A_2 = arith.muli %add3A, %mul3A_1 : i32
    %mul3A_3 = arith.constant 25600 : i32
    %mul3A_4 = arith.muli %add3A, %mul3A_3 : i32
    "tpu.region"() ({
      %run_scoped3A = tpu.sem_alloc : memref<!tpu.dma_semaphore, #tpu.memory_space<semaphore_mem>>
      %dma_start3A_100 = arith.constant 0 : i32
      %dma_start3A_101 = tpu.memref_slice %arg2[%mul3A_2, %dma_start3A_100] : memref<6400x128xi32, #tpu.memory_space<hbm>> -> memref<200x128xi32, #tpu.memory_space<hbm>>
      %dma_start3A_102 = arith.constant 0 : i32
      %dma_start3A_103 = tpu.memref_slice %arg2[%mul3A_2, %dma_start3A_102] : memref<6400x128xi32, #tpu.memory_space<hbm>> -> memref<200x128xi32, #tpu.memory_space<hbm>>
      tpu.enqueue_dma source(%dma_start3A_103 : memref<200x128xi32, #tpu.memory_space<hbm>>) target(%arg5 : memref<200x128xi32, #tpu.memory_space<vmem>>) target_semaphore(%run_scoped3A : memref<!tpu.dma_semaphore, #tpu.memory_space<semaphore_mem>>)
      %dma_wait3A_104 = arith.constant 0 : i32
      %dma_wait3A_105 = tpu.memref_slice %arg2[%mul3A_2, %dma_wait3A_104] : memref<6400x128xi32, #tpu.memory_space<hbm>> -> memref<200x128xi32, #tpu.memory_space<hbm>>
      %dma_wait3A_106 = arith.constant 0 : i32
      %dma_wait3A_107 = tpu.memref_slice %arg2[%mul3A_2, %dma_wait3A_106] : memref<6400x128xi32, #tpu.memory_space<hbm>> -> memref<200x128xi32, #tpu.memory_space<hbm>>
      tpu.wait_dma2 semaphore(%run_scoped3A : memref<!tpu.dma_semaphore, #tpu.memory_space<semaphore_mem>>) src(%dma_wait3A_107 : memref<200x128xi32, #tpu.memory_space<hbm>>) dst(%arg5 : memref<200x128xi32, #tpu.memory_space<vmem>>)
      tpu.yield
    }) : () -> ()
    %dma_start3A = arith.constant 0 : i32
    %dma_start3A_5 = arith.constant 0 : i32
    %dma_start3A_6 = tpu.memref_slice %arg5[%dma_start3A, %dma_start3A_5] : memref<200x128xi32, #tpu.memory_space<vmem>> -> memref<1x128xi32, #tpu.memory_space<vmem>>
    %dma_start3A_7 = tpu.memref_squeeze %dma_start3A_6 : memref<1x128xi32, #tpu.memory_space<vmem>> -> memref<128xi32, #tpu.memory_space<vmem>>
    %dma_start3A_8 = arith.constant 0 : i32
    %dma_start3A_9 = arith.constant 0 : i32
    %dma_start3A_10 = tpu.memref_slice %arg3[%dma_start3A_8, %dma_start3A_9] : memref<100000x128xf32, #tpu.memory_space<hbm>> -> memref<100000x128xf32, #tpu.memory_space<hbm>>
    tpu.enqueue_indirect_dma source(%dma_start3A_10 : memref<100000x128xf32, #tpu.memory_space<hbm>>) target(%arg6 : memref<128x128xf32, #tpu.memory_space<vmem>>) offsets(%dma_start3A_7 : memref<128xi32, #tpu.memory_space<vmem>>) semaphore(%arg10 : memref<!tpu.dma_semaphore, #tpu.memory_space<semaphore_mem>>)
    %dma_start3A_11 = arith.constant 1 : i32
    %dma_start3A_12 = arith.constant 0 : i32
    %dma_start3A_13 = tpu.memref_slice %arg5[%dma_start3A_11, %dma_start3A_12] : memref<200x128xi32, #tpu.memory_space<vmem>> -> memref<1x128xi32, #tpu.memory_space<vmem>>
    %dma_start3A_14 = tpu.memref_squeeze %dma_start3A_13 : memref<1x128xi32, #tpu.memory_space<vmem>> -> memref<128xi32, #tpu.memory_space<vmem>>
    %dma_start3A_15 = arith.constant 0 : i32
    %dma_start3A_16 = arith.constant 0 : i32
    %dma_start3A_17 = tpu.memref_slice %arg3[%dma_start3A_15, %dma_start3A_16] : memref<100000x128xf32, #tpu.memory_space<hbm>> -> memref<100000x128xf32, #tpu.memory_space<hbm>>
    tpu.enqueue_indirect_dma source(%dma_start3A_17 : memref<100000x128xf32, #tpu.memory_space<hbm>>) target(%arg7 : memref<128x128xf32, #tpu.memory_space<vmem>>) offsets(%dma_start3A_14 : memref<128xi32, #tpu.memory_space<vmem>>) semaphore(%arg11 : memref<!tpu.dma_semaphore, #tpu.memory_space<semaphore_mem>>)
    %dma_start3A_18 = arith.constant 2 : i32
    %dma_start3A_19 = arith.constant 0 : i32
    %dma_start3A_20 = tpu.memref_slice %arg5[%dma_start3A_18, %dma_start3A_19] : memref<200x128xi32, #tpu.memory_space<vmem>> -> memref<1x128xi32, #tpu.memory_space<vmem>>
    %dma_start3A_21 = tpu.memref_squeeze %dma_start3A_20 : memref<1x128xi32, #tpu.memory_space<vmem>> -> memref<128xi32, #tpu.memory_space<vmem>>
    %dma_start3A_22 = arith.constant 0 : i32
    %dma_start3A_23 = arith.constant 0 : i32
    %dma_start3A_24 = tpu.memref_slice %arg3[%dma_start3A_22, %dma_start3A_23] : memref<100000x128xf32, #tpu.memory_space<hbm>> -> memref<100000x128xf32, #tpu.memory_space<hbm>>
    tpu.enqueue_indirect_dma source(%dma_start3A_24 : memref<100000x128xf32, #tpu.memory_space<hbm>>) target(%arg8 : memref<128x128xf32, #tpu.memory_space<vmem>>) offsets(%dma_start3A_21 : memref<128xi32, #tpu.memory_space<vmem>>) semaphore(%arg12 : memref<!tpu.dma_semaphore, #tpu.memory_space<semaphore_mem>>)
    %dma_start3A_25 = arith.constant 3 : i32
    %dma_start3A_26 = arith.constant 0 : i32
    %dma_start3A_27 = tpu.memref_slice %arg5[%dma_start3A_25, %dma_start3A_26] : memref<200x128xi32, #tpu.memory_space<vmem>> -> memref<1x128xi32, #tpu.memory_space<vmem>>
    %dma_start3A_28 = tpu.memref_squeeze %dma_start3A_27 : memref<1x128xi32, #tpu.memory_space<vmem>> -> memref<128xi32, #tpu.memory_space<vmem>>
    %dma_start3A_29 = arith.constant 0 : i32
    %dma_start3A_30 = arith.constant 0 : i32
    %dma_start3A_31 = tpu.memref_slice %arg3[%dma_start3A_29, %dma_start3A_30] : memref<100000x128xf32, #tpu.memory_space<hbm>> -> memref<100000x128xf32, #tpu.memory_space<hbm>>
    tpu.enqueue_indirect_dma source(%dma_start3A_31 : memref<100000x128xf32, #tpu.memory_space<hbm>>) target(%arg9 : memref<128x128xf32, #tpu.memory_space<vmem>>) offsets(%dma_start3A_28 : memref<128xi32, #tpu.memory_space<vmem>>) semaphore(%arg13 : memref<!tpu.dma_semaphore, #tpu.memory_space<semaphore_mem>>)
    %scan3A = arith.constant 0 : i32
    %scan3A_32 = arith.constant 0 : i32
    %scan3A_33 = arith.constant 49 : i32
    %scan3A_34 = arith.addi %scan3A_32, %scan3A_33 : i32
    %scan3A_35 = arith.constant 1 : i32
    scf.for %scan3A_100 = %scan3A_32 to %scan3A_34 step %scan3A_35  : i32 {
      %mul3A_101 = arith.constant 4 : i32
      %mul3A_102 = arith.muli %scan3A_100, %mul3A_101 : i32
      %add3A_103 = arith.constant 0 : i32
      %add3A_104 = arith.addi %mul3A_102, %add3A_103 : i32
      %dma_wait3A_105 = arith.constant 0 : i32
      %dma_wait3A_106 = arith.constant 0 : i32
      %dma_wait3A_107 = tpu.memref_slice %arg3[%dma_wait3A_105, %dma_wait3A_106] : memref<100000x128xf32, #tpu.memory_space<hbm>> -> memref<128x128xf32, #tpu.memory_space<hbm>>
      %dma_wait3A_108 = arith.constant 0 : i32
      %dma_wait3A_109 = arith.constant 0 : i32
      %dma_wait3A_110 = tpu.memref_slice %arg3[%dma_wait3A_108, %dma_wait3A_109] : memref<100000x128xf32, #tpu.memory_space<hbm>> -> memref<128x128xf32, #tpu.memory_space<hbm>>
      tpu.wait_dma2 semaphore(%arg10 : memref<!tpu.dma_semaphore, #tpu.memory_space<semaphore_mem>>) src(%dma_wait3A_110 : memref<128x128xf32, #tpu.memory_space<hbm>>) dst(%arg6 : memref<128x128xf32, #tpu.memory_space<vmem>>)
      %mul3A_111 = arith.constant 128 : i32
      %mul3A_112 = arith.muli %add3A_104, %mul3A_111 : i32
      %add3A_113 = arith.addi %mul3A_4, %mul3A_112 : i32
      %dma_start3A_114 = arith.constant 0 : i32
      %dma_start3A_115 = tpu.memref_slice %arg4[%add3A_113, %dma_start3A_114] : memref<819200x128xf32, #tpu.memory_space<hbm>> -> memref<128x128xf32, #tpu.memory_space<hbm>>
      %dma_start3A_116 = arith.constant 0 : i32
      %dma_start3A_117 = tpu.memref_slice %arg4[%add3A_113, %dma_start3A_116] : memref<819200x128xf32, #tpu.memory_space<hbm>> -> memref<128x128xf32, #tpu.memory_space<hbm>>
      tpu.enqueue_dma source(%arg6 : memref<128x128xf32, #tpu.memory_space<vmem>>) target(%dma_start3A_117 : memref<128x128xf32, #tpu.memory_space<hbm>>) target_semaphore(%arg14 : memref<!tpu.dma_semaphore, #tpu.memory_space<semaphore_mem>>)
      %dma_wait3A_118 = arith.constant 0 : i32
      %dma_wait3A_119 = tpu.memref_slice %arg4[%mul3A_4, %dma_wait3A_118] : memref<819200x128xf32, #tpu.memory_space<hbm>> -> memref<128x128xf32, #tpu.memory_space<hbm>>
      %dma_wait3A_120 = arith.constant 0 : i32
      %dma_wait3A_121 = tpu.memref_slice %arg4[%mul3A_4, %dma_wait3A_120] : memref<819200x128xf32, #tpu.memory_space<hbm>> -> memref<128x128xf32, #tpu.memory_space<hbm>>
      tpu.wait_dma2 semaphore(%arg14 : memref<!tpu.dma_semaphore, #tpu.memory_space<semaphore_mem>>) src(%arg6 : memref<128x128xf32, #tpu.memory_space<vmem>>) dst(%dma_wait3A_121 : memref<128x128xf32, #tpu.memory_space<hbm>>)
      %add3A_122 = arith.constant 4 : i32
      %add3A_123 = arith.addi %add3A_104, %add3A_122 : i32
      %dma_start3A_124 = arith.constant 0 : i32
      %dma_start3A_125 = tpu.memref_slice %arg5[%add3A_123, %dma_start3A_124] : memref<200x128xi32, #tpu.memory_space<vmem>> -> memref<1x128xi32, #tpu.memory_space<vmem>>
      %dma_start3A_126 = tpu.memref_squeeze %dma_start3A_125 : memref<1x128xi32, #tpu.memory_space<vmem>> -> memref<128xi32, #tpu.memory_space<vmem>>
      %dma_start3A_127 = arith.constant 0 : i32
      %dma_start3A_128 = arith.constant 0 : i32
      %dma_start3A_129 = tpu.memref_slice %arg3[%dma_start3A_127, %dma_start3A_128] : memref<100000x128xf32, #tpu.memory_space<hbm>> -> memref<100000x128xf32, #tpu.memory_space<hbm>>
      tpu.enqueue_indirect_dma source(%dma_start3A_129 : memref<100000x128xf32, #tpu.memory_space<hbm>>) target(%arg6 : memref<128x128xf32, #tpu.memory_space<vmem>>) offsets(%dma_start3A_126 : memref<128xi32, #tpu.memory_space<vmem>>) semaphore(%arg10 : memref<!tpu.dma_semaphore, #tpu.memory_space<semaphore_mem>>)
      %mul3A_130 = arith.constant 4 : i32
      %mul3A_131 = arith.muli %scan3A_100, %mul3A_130 : i32
      %add3A_132 = arith.constant 1 : i32
      %add3A_133 = arith.addi %mul3A_131, %add3A_132 : i32
      %dma_wait3A_134 = arith.constant 0 : i32
      %dma_wait3A_135 = arith.constant 0 : i32
      %dma_wait3A_136 = tpu.memref_slice %arg3[%dma_wait3A_134, %dma_wait3A_135] : memref<100000x128xf32, #tpu.memory_space<hbm>> -> memref<128x128xf32, #tpu.memory_space<hbm>>
      %dma_wait3A_137 = arith.constant 0 : i32
      %dma_wait3A_138 = arith.constant 0 : i32
      %dma_wait3A_139 = tpu.memref_slice %arg3[%dma_wait3A_137, %dma_wait3A_138] : memref<100000x128xf32, #tpu.memory_space<hbm>> -> memref<128x128xf32, #tpu.memory_space<hbm>>
      tpu.wait_dma2 semaphore(%arg11 : memref<!tpu.dma_semaphore, #tpu.memory_space<semaphore_mem>>) src(%dma_wait3A_139 : memref<128x128xf32, #tpu.memory_space<hbm>>) dst(%arg7 : memref<128x128xf32, #tpu.memory_space<vmem>>)
      %mul3A_140 = arith.constant 128 : i32
      %mul3A_141 = arith.muli %add3A_133, %mul3A_140 : i32
      %add3A_142 = arith.addi %mul3A_4, %mul3A_141 : i32
      %dma_start3A_143 = arith.constant 0 : i32
      %dma_start3A_144 = tpu.memref_slice %arg4[%add3A_142, %dma_start3A_143] : memref<819200x128xf32, #tpu.memory_space<hbm>> -> memref<128x128xf32, #tpu.memory_space<hbm>>
      %dma_start3A_145 = arith.constant 0 : i32
      %dma_start3A_146 = tpu.memref_slice %arg4[%add3A_142, %dma_start3A_145] : memref<819200x128xf32, #tpu.memory_space<hbm>> -> memref<128x128xf32, #tpu.memory_space<hbm>>
      tpu.enqueue_dma source(%arg7 : memref<128x128xf32, #tpu.memory_space<vmem>>) target(%dma_start3A_146 : memref<128x128xf32, #tpu.memory_space<hbm>>) target_semaphore(%arg15 : memref<!tpu.dma_semaphore, #tpu.memory_space<semaphore_mem>>)
      %dma_wait3A_147 = arith.constant 0 : i32
      %dma_wait3A_148 = tpu.memref_slice %arg4[%mul3A_4, %dma_wait3A_147] : memref<819200x128xf32, #tpu.memory_space<hbm>> -> memref<128x128xf32, #tpu.memory_space<hbm>>
      %dma_wait3A_149 = arith.constant 0 : i32
      %dma_wait3A_150 = tpu.memref_slice %arg4[%mul3A_4, %dma_wait3A_149] : memref<819200x128xf32, #tpu.memory_space<hbm>> -> memref<128x128xf32, #tpu.memory_space<hbm>>
      tpu.wait_dma2 semaphore(%arg15 : memref<!tpu.dma_semaphore, #tpu.memory_space<semaphore_mem>>) src(%arg7 : memref<128x128xf32, #tpu.memory_space<vmem>>) dst(%dma_wait3A_150 : memref<128x128xf32, #tpu.memory_space<hbm>>)
      %add3A_151 = arith.constant 4 : i32
      %add3A_152 = arith.addi %add3A_133, %add3A_151 : i32
      %dma_start3A_153 = arith.constant 0 : i32
      %dma_start3A_154 = tpu.memref_slice %arg5[%add3A_152, %dma_start3A_153] : memref<200x128xi32, #tpu.memory_space<vmem>> -> memref<1x128xi32, #tpu.memory_space<vmem>>
      %dma_start3A_155 = tpu.memref_squeeze %dma_start3A_154 : memref<1x128xi32, #tpu.memory_space<vmem>> -> memref<128xi32, #tpu.memory_space<vmem>>
      %dma_start3A_156 = arith.constant 0 : i32
      %dma_start3A_157 = arith.constant 0 : i32
      %dma_start3A_158 = tpu.memref_slice %arg3[%dma_start3A_156, %dma_start3A_157] : memref<100000x128xf32, #tpu.memory_space<hbm>> -> memref<100000x128xf32, #tpu.memory_space<hbm>>
      tpu.enqueue_indirect_dma source(%dma_start3A_158 : memref<100000x128xf32, #tpu.memory_space<hbm>>) target(%arg7 : memref<128x128xf32, #tpu.memory_space<vmem>>) offsets(%dma_start3A_155 : memref<128xi32, #tpu.memory_space<vmem>>) semaphore(%arg11 : memref<!tpu.dma_semaphore, #tpu.memory_space<semaphore_mem>>)
      %mul3A_159 = arith.constant 4 : i32
      %mul3A_160 = arith.muli %scan3A_100, %mul3A_159 : i32
      %add3A_161 = arith.constant 2 : i32
      %add3A_162 = arith.addi %mul3A_160, %add3A_161 : i32
      %dma_wait3A_163 = arith.constant 0 : i32
      %dma_wait3A_164 = arith.constant 0 : i32
      %dma_wait3A_165 = tpu.memref_slice %arg3[%dma_wait3A_163, %dma_wait3A_164] : memref<100000x128xf32, #tpu.memory_space<hbm>> -> memref<128x128xf32, #tpu.memory_space<hbm>>
      %dma_wait3A_166 = arith.constant 0 : i32
      %dma_wait3A_167 = arith.constant 0 : i32
      %dma_wait3A_168 = tpu.memref_slice %arg3[%dma_wait3A_166, %dma_wait3A_167] : memref<100000x128xf32, #tpu.memory_space<hbm>> -> memref<128x128xf32, #tpu.memory_space<hbm>>
      tpu.wait_dma2 semaphore(%arg12 : memref<!tpu.dma_semaphore, #tpu.memory_space<semaphore_mem>>) src(%dma_wait3A_168 : memref<128x128xf32, #tpu.memory_space<hbm>>) dst(%arg8 : memref<128x128xf32, #tpu.memory_space<vmem>>)
      %mul3A_169 = arith.constant 128 : i32
      %mul3A_170 = arith.muli %add3A_162, %mul3A_169 : i32
      %add3A_171 = arith.addi %mul3A_4, %mul3A_170 : i32
      %dma_start3A_172 = arith.constant 0 : i32
      %dma_start3A_173 = tpu.memref_slice %arg4[%add3A_171, %dma_start3A_172] : memref<819200x128xf32, #tpu.memory_space<hbm>> -> memref<128x128xf32, #tpu.memory_space<hbm>>
      %dma_start3A_174 = arith.constant 0 : i32
      %dma_start3A_175 = tpu.memref_slice %arg4[%add3A_171, %dma_start3A_174] : memref<819200x128xf32, #tpu.memory_space<hbm>> -> memref<128x128xf32, #tpu.memory_space<hbm>>
      tpu.enqueue_dma source(%arg8 : memref<128x128xf32, #tpu.memory_space<vmem>>) target(%dma_start3A_175 : memref<128x128xf32, #tpu.memory_space<hbm>>) target_semaphore(%arg16 : memref<!tpu.dma_semaphore, #tpu.memory_space<semaphore_mem>>)
      %dma_wait3A_176 = arith.constant 0 : i32
      %dma_wait3A_177 = tpu.memref_slice %arg4[%mul3A_4, %dma_wait3A_176] : memref<819200x128xf32, #tpu.memory_space<hbm>> -> memref<128x128xf32, #tpu.memory_space<hbm>>
      %dma_wait3A_178 = arith.constant 0 : i32
      %dma_wait3A_179 = tpu.memref_slice %arg4[%mul3A_4, %dma_wait3A_178] : memref<819200x128xf32, #tpu.memory_space<hbm>> -> memref<128x128xf32, #tpu.memory_space<hbm>>
      tpu.wait_dma2 semaphore(%arg16 : memref<!tpu.dma_semaphore, #tpu.memory_space<semaphore_mem>>) src(%arg8 : memref<128x128xf32, #tpu.memory_space<vmem>>) dst(%dma_wait3A_179 : memref<128x128xf32, #tpu.memory_space<hbm>>)
      %add3A_180 = arith.constant 4 : i32
      %add3A_181 = arith.addi %add3A_162, %add3A_180 : i32
      %dma_start3A_182 = arith.constant 0 : i32
      %dma_start3A_183 = tpu.memref_slice %arg5[%add3A_181, %dma_start3A_182] : memref<200x128xi32, #tpu.memory_space<vmem>> -> memref<1x128xi32, #tpu.memory_space<vmem>>
      %dma_start3A_184 = tpu.memref_squeeze %dma_start3A_183 : memref<1x128xi32, #tpu.memory_space<vmem>> -> memref<128xi32, #tpu.memory_space<vmem>>
      %dma_start3A_185 = arith.constant 0 : i32
      %dma_start3A_186 = arith.constant 0 : i32
      %dma_start3A_187 = tpu.memref_slice %arg3[%dma_start3A_185, %dma_start3A_186] : memref<100000x128xf32, #tpu.memory_space<hbm>> -> memref<100000x128xf32, #tpu.memory_space<hbm>>
      tpu.enqueue_indirect_dma source(%dma_start3A_187 : memref<100000x128xf32, #tpu.memory_space<hbm>>) target(%arg8 : memref<128x128xf32, #tpu.memory_space<vmem>>) offsets(%dma_start3A_184 : memref<128xi32, #tpu.memory_space<vmem>>) semaphore(%arg12 : memref<!tpu.dma_semaphore, #tpu.memory_space<semaphore_mem>>)
      %mul3A_188 = arith.constant 4 : i32
      %mul3A_189 = arith.muli %scan3A_100, %mul3A_188 : i32
      %add3A_190 = arith.constant 3 : i32
      %add3A_191 = arith.addi %mul3A_189, %add3A_190 : i32
      %dma_wait3A_192 = arith.constant 0 : i32
      %dma_wait3A_193 = arith.constant 0 : i32
      %dma_wait3A_194 = tpu.memref_slice %arg3[%dma_wait3A_192, %dma_wait3A_193] : memref<100000x128xf32, #tpu.memory_space<hbm>> -> memref<128x128xf32, #tpu.memory_space<hbm>>
      %dma_wait3A_195 = arith.constant 0 : i32
      %dma_wait3A_196 = arith.constant 0 : i32
      %dma_wait3A_197 = tpu.memref_slice %arg3[%dma_wait3A_195, %dma_wait3A_196] : memref<100000x128xf32, #tpu.memory_space<hbm>> -> memref<128x128xf32, #tpu.memory_space<hbm>>
      tpu.wait_dma2 semaphore(%arg13 : memref<!tpu.dma_semaphore, #tpu.memory_space<semaphore_mem>>) src(%dma_wait3A_197 : memref<128x128xf32, #tpu.memory_space<hbm>>) dst(%arg9 : memref<128x128xf32, #tpu.memory_space<vmem>>)
      %mul3A_198 = arith.constant 128 : i32
      %mul3A_199 = arith.muli %add3A_191, %mul3A_198 : i32
      %add3A_200 = arith.addi %mul3A_4, %mul3A_199 : i32
      %dma_start3A_201 = arith.constant 0 : i32
      %dma_start3A_202 = tpu.memref_slice %arg4[%add3A_200, %dma_start3A_201] : memref<819200x128xf32, #tpu.memory_space<hbm>> -> memref<128x128xf32, #tpu.memory_space<hbm>>
      %dma_start3A_203 = arith.constant 0 : i32
      %dma_start3A_204 = tpu.memref_slice %arg4[%add3A_200, %dma_start3A_203] : memref<819200x128xf32, #tpu.memory_space<hbm>> -> memref<128x128xf32, #tpu.memory_space<hbm>>
      tpu.enqueue_dma source(%arg9 : memref<128x128xf32, #tpu.memory_space<vmem>>) target(%dma_start3A_204 : memref<128x128xf32, #tpu.memory_space<hbm>>) target_semaphore(%arg17 : memref<!tpu.dma_semaphore, #tpu.memory_space<semaphore_mem>>)
      %dma_wait3A_205 = arith.constant 0 : i32
      %dma_wait3A_206 = tpu.memref_slice %arg4[%mul3A_4, %dma_wait3A_205] : memref<819200x128xf32, #tpu.memory_space<hbm>> -> memref<128x128xf32, #tpu.memory_space<hbm>>
      %dma_wait3A_207 = arith.constant 0 : i32
      %dma_wait3A_208 = tpu.memref_slice %arg4[%mul3A_4, %dma_wait3A_207] : memref<819200x128xf32, #tpu.memory_space<hbm>> -> memref<128x128xf32, #tpu.memory_space<hbm>>
      tpu.wait_dma2 semaphore(%arg17 : memref<!tpu.dma_semaphore, #tpu.memory_space<semaphore_mem>>) src(%arg9 : memref<128x128xf32, #tpu.memory_space<vmem>>) dst(%dma_wait3A_208 : memref<128x128xf32, #tpu.memory_space<hbm>>)
      %add3A_209 = arith.constant 4 : i32
      %add3A_210 = arith.addi %add3A_191, %add3A_209 : i32
      %dma_start3A_211 = arith.constant 0 : i32
      %dma_start3A_212 = tpu.memref_slice %arg5[%add3A_210, %dma_start3A_211] : memref<200x128xi32, #tpu.memory_space<vmem>> -> memref<1x128xi32, #tpu.memory_space<vmem>>
      %dma_start3A_213 = tpu.memref_squeeze %dma_start3A_212 : memref<1x128xi32, #tpu.memory_space<vmem>> -> memref<128xi32, #tpu.memory_space<vmem>>
      %dma_start3A_214 = arith.constant 0 : i32
      %dma_start3A_215 = arith.constant 0 : i32
      %dma_start3A_216 = tpu.memref_slice %arg3[%dma_start3A_214, %dma_start3A_215] : memref<100000x128xf32, #tpu.memory_space<hbm>> -> memref<100000x128xf32, #tpu.memory_space<hbm>>
      tpu.enqueue_indirect_dma source(%dma_start3A_216 : memref<100000x128xf32, #tpu.memory_space<hbm>>) target(%arg9 : memref<128x128xf32, #tpu.memory_space<vmem>>) offsets(%dma_start3A_213 : memref<128xi32, #tpu.memory_space<vmem>>) semaphore(%arg13 : memref<!tpu.dma_semaphore, #tpu.memory_space<semaphore_mem>>)
    }
    %scan3A_36 = arith.constant 49 : i32
    %dma_wait3A = arith.constant 0 : i32
    %dma_wait3A_37 = arith.constant 0 : i32
    %dma_wait3A_38 = tpu.memref_slice %arg3[%dma_wait3A, %dma_wait3A_37] : memref<100000x128xf32, #tpu.memory_space<hbm>> -> memref<128x128xf32, #tpu.memory_space<hbm>>
    %dma_wait3A_39 = arith.constant 0 : i32
    %dma_wait3A_40 = arith.constant 0 : i32
    %dma_wait3A_41 = tpu.memref_slice %arg3[%dma_wait3A_39, %dma_wait3A_40] : memref<100000x128xf32, #tpu.memory_space<hbm>> -> memref<128x128xf32, #tpu.memory_space<hbm>>
    tpu.wait_dma2 semaphore(%arg10 : memref<!tpu.dma_semaphore, #tpu.memory_space<semaphore_mem>>) src(%dma_wait3A_41 : memref<128x128xf32, #tpu.memory_space<hbm>>) dst(%arg6 : memref<128x128xf32, #tpu.memory_space<vmem>>)
    %add3A_42 = arith.constant 25088 : i32
    %add3A_43 = arith.addi %mul3A_4, %add3A_42 : i32
    %dma_start3A_44 = arith.constant 0 : i32
    %dma_start3A_45 = tpu.memref_slice %arg4[%add3A_43, %dma_start3A_44] : memref<819200x128xf32, #tpu.memory_space<hbm>> -> memref<128x128xf32, #tpu.memory_space<hbm>>
    %dma_start3A_46 = arith.constant 0 : i32
    %dma_start3A_47 = tpu.memref_slice %arg4[%add3A_43, %dma_start3A_46] : memref<819200x128xf32, #tpu.memory_space<hbm>> -> memref<128x128xf32, #tpu.memory_space<hbm>>
    tpu.enqueue_dma source(%arg6 : memref<128x128xf32, #tpu.memory_space<vmem>>) target(%dma_start3A_47 : memref<128x128xf32, #tpu.memory_space<hbm>>) target_semaphore(%arg14 : memref<!tpu.dma_semaphore, #tpu.memory_space<semaphore_mem>>)
    %dma_wait3A_48 = arith.constant 0 : i32
    %dma_wait3A_49 = arith.constant 0 : i32
    %dma_wait3A_50 = tpu.memref_slice %arg3[%dma_wait3A_48, %dma_wait3A_49] : memref<100000x128xf32, #tpu.memory_space<hbm>> -> memref<128x128xf32, #tpu.memory_space<hbm>>
    %dma_wait3A_51 = arith.constant 0 : i32
    %dma_wait3A_52 = arith.constant 0 : i32
    %dma_wait3A_53 = tpu.memref_slice %arg3[%dma_wait3A_51, %dma_wait3A_52] : memref<100000x128xf32, #tpu.memory_space<hbm>> -> memref<128x128xf32, #tpu.memory_space<hbm>>
    tpu.wait_dma2 semaphore(%arg11 : memref<!tpu.dma_semaphore, #tpu.memory_space<semaphore_mem>>) src(%dma_wait3A_53 : memref<128x128xf32, #tpu.memory_space<hbm>>) dst(%arg7 : memref<128x128xf32, #tpu.memory_space<vmem>>)
    %add3A_54 = arith.constant 25216 : i32
    %add3A_55 = arith.addi %mul3A_4, %add3A_54 : i32
    %dma_start3A_56 = arith.constant 0 : i32
    %dma_start3A_57 = tpu.memref_slice %arg4[%add3A_55, %dma_start3A_56] : memref<819200x128xf32, #tpu.memory_space<hbm>> -> memref<128x128xf32, #tpu.memory_space<hbm>>
    %dma_start3A_58 = arith.constant 0 : i32
    %dma_start3A_59 = tpu.memref_slice %arg4[%add3A_55, %dma_start3A_58] : memref<819200x128xf32, #tpu.memory_space<hbm>> -> memref<128x128xf32, #tpu.memory_space<hbm>>
    tpu.enqueue_dma source(%arg7 : memref<128x128xf32, #tpu.memory_space<vmem>>) target(%dma_start3A_59 : memref<128x128xf32, #tpu.memory_space<hbm>>) target_semaphore(%arg15 : memref<!tpu.dma_semaphore, #tpu.memory_space<semaphore_mem>>)
    %dma_wait3A_60 = arith.constant 0 : i32
    %dma_wait3A_61 = arith.constant 0 : i32
    %dma_wait3A_62 = tpu.memref_slice %arg3[%dma_wait3A_60, %dma_wait3A_61] : memref<100000x128xf32, #tpu.memory_space<hbm>> -> memref<128x128xf32, #tpu.memory_space<hbm>>
    %dma_wait3A_63 = arith.constant 0 : i32
    %dma_wait3A_64 = arith.constant 0 : i32
    %dma_wait3A_65 = tpu.memref_slice %arg3[%dma_wait3A_63, %dma_wait3A_64] : memref<100000x128xf32, #tpu.memory_space<hbm>> -> memref<128x128xf32, #tpu.memory_space<hbm>>
    tpu.wait_dma2 semaphore(%arg12 : memref<!tpu.dma_semaphore, #tpu.memory_space<semaphore_mem>>) src(%dma_wait3A_65 : memref<128x128xf32, #tpu.memory_space<hbm>>) dst(%arg8 : memref<128x128xf32, #tpu.memory_space<vmem>>)
    %add3A_66 = arith.constant 25344 : i32
    %add3A_67 = arith.addi %mul3A_4, %add3A_66 : i32
    %dma_start3A_68 = arith.constant 0 : i32
    %dma_start3A_69 = tpu.memref_slice %arg4[%add3A_67, %dma_start3A_68] : memref<819200x128xf32, #tpu.memory_space<hbm>> -> memref<128x128xf32, #tpu.memory_space<hbm>>
    %dma_start3A_70 = arith.constant 0 : i32
    %dma_start3A_71 = tpu.memref_slice %arg4[%add3A_67, %dma_start3A_70] : memref<819200x128xf32, #tpu.memory_space<hbm>> -> memref<128x128xf32, #tpu.memory_space<hbm>>
    tpu.enqueue_dma source(%arg8 : memref<128x128xf32, #tpu.memory_space<vmem>>) target(%dma_start3A_71 : memref<128x128xf32, #tpu.memory_space<hbm>>) target_semaphore(%arg16 : memref<!tpu.dma_semaphore, #tpu.memory_space<semaphore_mem>>)
    %dma_wait3A_72 = arith.constant 0 : i32
    %dma_wait3A_73 = arith.constant 0 : i32
    %dma_wait3A_74 = tpu.memref_slice %arg3[%dma_wait3A_72, %dma_wait3A_73] : memref<100000x128xf32, #tpu.memory_space<hbm>> -> memref<128x128xf32, #tpu.memory_space<hbm>>
    %dma_wait3A_75 = arith.constant 0 : i32
    %dma_wait3A_76 = arith.constant 0 : i32
    %dma_wait3A_77 = tpu.memref_slice %arg3[%dma_wait3A_75, %dma_wait3A_76] : memref<100000x128xf32, #tpu.memory_space<hbm>> -> memref<128x128xf32, #tpu.memory_space<hbm>>
    tpu.wait_dma2 semaphore(%arg13 : memref<!tpu.dma_semaphore, #tpu.memory_space<semaphore_mem>>) src(%dma_wait3A_77 : memref<128x128xf32, #tpu.memory_space<hbm>>) dst(%arg9 : memref<128x128xf32, #tpu.memory_space<vmem>>)
    %add3A_78 = arith.constant 25472 : i32
    %add3A_79 = arith.addi %mul3A_4, %add3A_78 : i32
    %dma_start3A_80 = arith.constant 0 : i32
    %dma_start3A_81 = tpu.memref_slice %arg4[%add3A_79, %dma_start3A_80] : memref<819200x128xf32, #tpu.memory_space<hbm>> -> memref<128x128xf32, #tpu.memory_space<hbm>>
    %dma_start3A_82 = arith.constant 0 : i32
    %dma_start3A_83 = tpu.memref_slice %arg4[%add3A_79, %dma_start3A_82] : memref<819200x128xf32, #tpu.memory_space<hbm>> -> memref<128x128xf32, #tpu.memory_space<hbm>>
    tpu.enqueue_dma source(%arg9 : memref<128x128xf32, #tpu.memory_space<vmem>>) target(%dma_start3A_83 : memref<128x128xf32, #tpu.memory_space<hbm>>) target_semaphore(%arg17 : memref<!tpu.dma_semaphore, #tpu.memory_space<semaphore_mem>>)
    %dma_wait3A_84 = arith.constant 0 : i32
    %dma_wait3A_85 = tpu.memref_slice %arg4[%mul3A_4, %dma_wait3A_84] : memref<819200x128xf32, #tpu.memory_space<hbm>> -> memref<128x128xf32, #tpu.memory_space<hbm>>
    %dma_wait3A_86 = arith.constant 0 : i32
    %dma_wait3A_87 = tpu.memref_slice %arg4[%mul3A_4, %dma_wait3A_86] : memref<819200x128xf32, #tpu.memory_space<hbm>> -> memref<128x128xf32, #tpu.memory_space<hbm>>
    tpu.wait_dma2 semaphore(%arg14 : memref<!tpu.dma_semaphore, #tpu.memory_space<semaphore_mem>>) src(%arg6 : memref<128x128xf32, #tpu.memory_space<vmem>>) dst(%dma_wait3A_87 : memref<128x128xf32, #tpu.memory_space<hbm>>)
    %dma_wait3A_88 = arith.constant 0 : i32
    %dma_wait3A_89 = tpu.memref_slice %arg4[%mul3A_4, %dma_wait3A_88] : memref<819200x128xf32, #tpu.memory_space<hbm>> -> memref<128x128xf32, #tpu.memory_space<hbm>>
    %dma_wait3A_90 = arith.constant 0 : i32
    %dma_wait3A_91 = tpu.memref_slice %arg4[%mul3A_4, %dma_wait3A_90] : memref<819200x128xf32, #tpu.memory_space<hbm>> -> memref<128x128xf32, #tpu.memory_space<hbm>>
    tpu.wait_dma2 semaphore(%arg15 : memref<!tpu.dma_semaphore, #tpu.memory_space<semaphore_mem>>) src(%arg7 : memref<128x128xf32, #tpu.memory_space<vmem>>) dst(%dma_wait3A_91 : memref<128x128xf32, #tpu.memory_space<hbm>>)
    %dma_wait3A_92 = arith.constant 0 : i32
    %dma_wait3A_93 = tpu.memref_slice %arg4[%mul3A_4, %dma_wait3A_92] : memref<819200x128xf32, #tpu.memory_space<hbm>> -> memref<128x128xf32, #tpu.memory_space<hbm>>
    %dma_wait3A_94 = arith.constant 0 : i32
    %dma_wait3A_95 = tpu.memref_slice %arg4[%mul3A_4, %dma_wait3A_94] : memref<819200x128xf32, #tpu.memory_space<hbm>> -> memref<128x128xf32, #tpu.memory_space<hbm>>
    tpu.wait_dma2 semaphore(%arg16 : memref<!tpu.dma_semaphore, #tpu.memory_space<semaphore_mem>>) src(%arg8 : memref<128x128xf32, #tpu.memory_space<vmem>>) dst(%dma_wait3A_95 : memref<128x128xf32, #tpu.memory_space<hbm>>)
    %dma_wait3A_96 = arith.constant 0 : i32
    %dma_wait3A_97 = tpu.memref_slice %arg4[%mul3A_4, %dma_wait3A_96] : memref<819200x128xf32, #tpu.memory_space<hbm>> -> memref<128x128xf32, #tpu.memory_space<hbm>>
    %dma_wait3A_98 = arith.constant 0 : i32
    %dma_wait3A_99 = tpu.memref_slice %arg4[%mul3A_4, %dma_wait3A_98] : memref<819200x128xf32, #tpu.memory_space<hbm>> -> memref<128x128xf32, #tpu.memory_space<hbm>>
    tpu.wait_dma2 semaphore(%arg17 : memref<!tpu.dma_semaphore, #tpu.memory_space<semaphore_mem>>) src(%arg9 : memref<128x128xf32, #tpu.memory_space<vmem>>) dst(%dma_wait3A_99 : memref<128x128xf32, #tpu.memory_space<hbm>>)
    return
  }
}

</mosaic_0001>

<sc_bundles>
// kernel: kernel.3.cloned.1.call-start
scs
__scs_entry_jumppad:
0x0: {  	(pc) =	sbr.rel $0x88, $3  }
0x1: {  	(tag) =	ssettag $0x0;
	lr =	simm.s32 $0x1  }
0x2: {  	[smem:$0x3F9F] =	sst lr;
	_ =	strace $0xD0000000  }
0x3: {  	_ = 	snop  }
0x4: {  	_ = 	snop  }
0x5: {  	_ = 	snop  }
0x6: {  	_ = 	snop  }
0x7: {  	_ = 	snop  }
__scs_overlays_trampoline_lowered:
0x8: {  	[smem:$0x3FAE] =	sst s0  }
0x9: {  	[smem:$0x3FAF] =	sst s1  }
0xa: {  	[smem:$0x3FB0] =	sst s2  }
0xb: {  	[smem:$0x3FB1] =	sst s3  }
0xc: {  	[smem:$0x3FB2] =	sst s4  }
0xd: {  	[smem:$0x3FB3] =	sst s5  }
0xe: {  	[smem:$0x3FB4] =	sst s6  }
0xf: {  	[smem:$0x3FB5] =	sst s7  }
0x10: {  	[smem:$0x3FB6] =	sst s8  }
0x11: {  	[smem:$0x3FB7] =	sst s9;
	s0 =	simm.s32 @!p0 $0x0  }
0x12: {  	s1 =	sld [smem:$0x3F9D];
	s0 =	simm.s32 @p0 $0x1  }
0x13: {  	[smem:$0x3FB8] =	sst s0;
	s0 =	simm.s32 @!p1 $0x0  }
0x14: {  	s2 =	sld [smem:$0x3F9C];
	s0 =	simm.s32 @p1 $0x1  }
0x15: {  	[smem:$0x3FB9] =	sst s0;
	s0 =	simm.s32 @!p2 $0x0  }
0x16: {  	s3 =	sld [smem:$0x3FDB];
	s0 =	simm.s32 @p2 $0x1  }
0x17: {  	s4 =	simm.s32 $0x1BF5;
	[smem:$0x3FBB] =	sst s0  }
0x18: {  	s0 =	sld [smem:$0x3F9E];
	_ =	swait.ge [sflag:s4], $0x0  }
0x19: {  	s7 =	sld [smem:$0x3F9F]  }
0x1a: {  	s8 =	sadd.s32 $0xFFFFE003, lr  }
0x1b: {  	s9 =	sadd.s32 $0xFFFFFEF7, lr;
	s5 =	simm.s32 $0xFFFFFFFF;
	p2 =	slt.u32 s8, $0xFFFFF086  }
0x1c: {  	p1 =	slt.u32 s9, $0xF7A;
	s5 =	simm.s32 @!p2 $0x0  }
0x1d: {  	s5 =	simm.s32 @p1 $0x1;
	p0 =	seq.s32 s7, s2  }
0x1e: {  	s7 =	smul.u32 @!p0 $0xF7A, s2;
	p2 =	seq.s32 @!p0 s5, $0x0  }
0x1f: {  	s9 =	smul.u32 $0xF7A, s1;
	s8 =	simm.s32 @!p0 $0x1BF5;
	p2 =	por !p2, p0  }
0x20: {  	[sflag:s8] =	ssyncset.s32 @!p0 $0xFFFFF086;
	s6 =	sadd.s32 @!p0 s3, s7;
	s7 =	simm.s32 @!p0 $0x108  }
0x21: {  	s3 =	sadd.s32 s3, s9;
	s6 =	sadd.s32 @!p0 $0x88, s6;
	s7 =	simm.s32 @p2 $0x1082  }
0x22: {  	[simem:s7], [sflag:s8] =	dma.local @!p0 [hbm:s6], $0xF7A  }
0x23: {  	s9 =	sor.u32 $0xD0000000, s2;
	s6 =	simm.s32 $0x108;
	_ =	swait.ge @!p0 [sflag:s8], $0x0  }
0x24: {  	s3 =	sadd.s32 $0x88, s3;
	s6 =	simm.s32 @!p1 $0x1082;
	[sflag:s4] =	ssyncset.s32 $0xFFFFF086  }
0x25: {  	[simem:s6], [sflag:s4] =	dma.local [hbm:s3], $0xF7A  }
0x26: {  	[smem:$0x3F9F] =	sst s1;
	(tag) =	ssettag s2;
	_ =	strace s9  }
0x27: {  	s1 =	sld [smem:$0x3FAF]  }
0x28: {  	s2 =	sld [smem:$0x3FB0]  }
0x29: {  	s4 =	sld [smem:$0x3FB2]  }
0x2a: {  	p0 =	seq.s32 s5, $0x0;
	s5 =	sld [smem:$0x3FB3]  }
0x2b: {  	s6 =	sld [smem:$0x3FB4]  }
0x2c: {  	s7 =	sld [smem:$0x3FB5]  }
0x2d: {  	s3 =	simm.s32 $0x108;
	s8 =	sld [smem:$0x3FB6]  }
0x2e: {  	s3 =	simm.s32 @!p0 $0x1082;
	s9 =	sld [smem:$0x3FB7]  }
0x2f: {  	lr =	sadd.s32 s0, s3;
	s0 =	sld [smem:$0x3FAE]  }
0x30: {  	s3 =	sld [smem:$0x3FB1]  }
0x31: {  	[smem:$0x3FBA] =	sst s10  }
0x32: {  	s10 =	sld [smem:$0x3FB8];
	_ =	sdelay $0x3  }
0x33: {  	p0 =	seq.s32 s10, $0x1;
	s10 =	sld [smem:$0x3FBA];
	_ =	sdelay $0x3  }
0x34: {  	[smem:$0x3FBA] =	sst s10  }
0x35: {  	s10 =	sld [smem:$0x3FB9];
	_ =	sdelay $0x3  }
0x36: {  	p1 =	seq.s32 s10, $0x1;
	s10 =	sld [smem:$0x3FBA];
	_ =	sdelay $0x3  }
0x37: {  	[smem:$0x3FBA] =	sst s10  }
0x38: {  	s10 =	sld [smem:$0x3FBB]  }
0x39: {  	_ = 	snop;
	(pc) =	sbr.ind lr, $3  }
0x3a: {  	_ = 	snop  }
0x3b: {  	_ = 	snop  }
0x3c: {  	p2 =	seq.s32 s10, $0x1;
	s10 =	sld [smem:$0x3FBA]  }
0x3d: {  	_ =	shalt  }
0x3e: {  	_ =	shalt  }
0x3f: {  	_ =	shalt  }
0x40: {  	_ =	shalt  }
0x41: {  	_ =	shalt  }
0x42: {  	_ =	shalt  }
0x43: {  	_ =	shalt  }
0x44: {  	_ =	shalt  }
0x45: {  	_ =	shalt  }
0x46: {  	_ =	shalt  }
0x47: {  	_ =	shalt  }
0x48: {  	_ =	shalt  }
0x49: {  	_ =	shalt  }
0x4a: {  	_ =	shalt  }
0x4b: {  	_ =	shalt  }
0x4c: {  	_ =	shalt  }
0x4d: {  	_ =	shalt  }
0x4e: {  	_ =	shalt  }
0x4f: {  	_ =	shalt  }
0x50: {  	_ =	shalt  }
0x51: {  	_ =	shalt  }
0x52: {  	_ =	shalt  }
0x53: {  	_ =	shalt  }
0x54: {  	_ =	shalt  }
0x55: {  	_ =	shalt  }
0x56: {  	_ =	shalt  }
0x57: {  	_ =	shalt  }
0x58: {  	_ =	shalt  }
0x59: {  	_ =	shalt  }
0x5a: {  	_ =	shalt  }
0x5b: {  	_ =	shalt  }
0x5c: {  	_ =	shalt  }
0x5d: {  	_ =	shalt  }
0x5e: {  	_ =	shalt  }
0x5f: {  	_ =	shalt  }
0x60: {  	_ =	shalt  }
0x61: {  	_ =	shalt  }
0x62: {  	_ =	shalt  }
0x63: {  	_ =	shalt  }
0x64: {  	_ =	shalt  }
0x65: {  	_ =	shalt  }
0x66: {  	_ =	shalt  }
0x67: {  	_ =	shalt  }
0x68: {  	_ =	shalt  }
0x69: {  	_ =	shalt  }
0x6a: {  	_ =	shalt  }
0x6b: {  	_ =	shalt  }
0x6c: {  	_ =	shalt  }
0x6d: {  	_ =	shalt  }
0x6e: {  	_ =	shalt  }
0x6f: {  	_ =	shalt  }
0x70: {  	_ =	shalt  }
0x71: {  	_ =	shalt  }
0x72: {  	_ =	shalt  }
0x73: {  	_ =	shalt  }
0x74: {  	_ =	shalt  }
0x75: {  	_ =	shalt  }
0x76: {  	_ =	shalt  }
0x77: {  	_ =	shalt  }
0x78: {  	_ =	shalt  }
0x79: {  	_ =	shalt  }
0x7a: {  	_ =	shalt  }
0x7b: {  	_ =	shalt  }
0x7c: {  	_ =	shalt  }
0x7d: {  	_ =	shalt  }
0x7e: {  	_ =	shalt  }
0x7f: {  	_ =	shalt  }
0x80: {  	_ =	shalt  }
0x81: {  	_ =	shalt  }
0x82: {  	_ =	shalt  }
0x83: {  	_ =	shalt  }
0x84: {  	_ =	shalt  }
0x85: {  	_ =	shalt  }
0x86: {  	_ =	shalt  }
0x87: {  	_ =	shalt  }
.Lfunc_end0:
.L_simem_size_0:
called_computation_lowered:
.L_overlay_start_0:
0x88: {  	s2 =	sld [smem:$0x3FD9]  }
0x89: {  	s3 =	sld [smem:$0x3FFE];
	_ =	sdelay $0x1  }
0x8a: {  	s1 =	srdreg.scid  }
0x8b: {  	s0 =	sand.u32 $0x1, s1  }
0x8c: {  	s17 =	sshll.u32 s0, $0xA;
	s2 =	sadd.s32 s3, s2  }
0x8d: {  	s2 =	sadd.s32 s2, s17  }
0x8e: {  	[smem:$0x3FC6] =	sst s2  }
0x8f: {  	_ = 	snop  }
0x90: {  	s2 =	sld [smem:$0x3FC8]  }
0x91: {  	s18 =	sld [smem:$0x3FD0];
	(tm) =	ssettm $0x1  }
0x92: {  	s4 =	sld [smem:$0x3FFB];
	_ =	sdelay $0x3  }
0x93: {  	_ =	strace s4  }
0x94: {  	s4 =	sld [smem:$0x3FFC];
	_ =	sdelay $0x3  }
0x95: {  	_ =	strace s4  }
0x96: {  	s4 =	sld [smem:$0x3FFD];
	_ =	sdelay $0x3  }
0x97: {  	_ =	strace s4  }
0x98: {  	_ =	strace $0x8FFFFFFF  }
0x99: {  	s19 =	sld [smem:$0x3FDB];
	_ =	sdelay $0x1  }
0x9a: {  	s5 =	simm.s32 $_scs_section_size  }
0x9b: {  	s6 =	simm.s32 $_size__tile_overlayer_lowered;
	s7 =	simm.s32 $_tile_overlayer_lowered  }
0x9c: {  	s22 =	simm.s32 $0x1BFF;
	s21 =	sshll.u32 s7, $0x1;
	s4 =	sadd.s32 s5, s19  }
0x9d: {  	s8 =	simm.s32 $0x0;
	s20 =	sshll.u32 s6, $0x1;
	s6 =	sadd.s32 s21, s4  }
0x9e: {  	[timem:s8], [sflag:s22] =	dma.local [hbm:s6], s20  }
0x9f: {  	_ =	swait.ge [sflag:s22], s20  }
0xa0: {  	s5 =	ssub.s32 $0x0, s20;
	[sflag:s22] =	ssyncset.done $0x0  }
0xa1: {  	[sflag:s22] =	ssyncadd.s32 s5;
	_ =	sdelay $0x1  }
0xa2: {  	s23 =	simm.s32 $0x1B8B  }
0xa3: {  	_ =	swait.ge [sflag:s23], $0x1  }
0xa4: {  	[sflag:s23] =	ssyncset.done $0x0  }
0xa5: {  	s25 =	simm.s32 $0x1B8E;
	s24 =	sld [smem:$0x3FFE];
	[sflag:s23] =	ssyncadd.s32 $0xFFFFFFFF  }
0xa6: {  	s26 =	simm.s32 $execute0_lowered;
	[smem:$0x3FD2] =	sst s25  }
0xa7: {  	s6 =	sshll.u32 s26, $0x1;
	_ =	strace $0x80000046;
	[dreg:$0x1] =	wrdreg $0xFFFFFFFF  }
0xa8: {  	s28 =	simm.s32 $_size_execute0_lowered;
	s4 =	sadd.s32 s4, s6;
	[dreg:$0x0] =	wrdreg $0x0  }
0xa9: {  	s6 =	sshll.u32 s28, $0x1;
	[dreg:$0x2] =	wrdreg s4  }
0xaa: {  	[dreg:$0x3] =	wrdreg s6  }
0xab: {  	[dreg:$0x4] =	wrdreg $0xC0  }
0xac: {  	_ =	task [dreg:s8], $0x5FFFF  }
0xad: {  	[dreg:$0x1] =	wrdreg $0xFFFFFFFF  }
0xae: {  	[dreg:$0x0] =	wrdreg $0x60  }
0xaf: {  	[dreg:$0x2] =	wrdreg s24  }
0xb0: {  	[dreg:$0x3] =	wrdreg s2  }
0xb1: {  	[dreg:$0x4] =	wrdreg s18  }
0xb2: {  	[dreg:$0x5] =	wrdreg $0x9  }
0xb3: {  	_ =	task.clear_ibuf [dreg:s8], $0x6FFFF;
	_ =	strace $0x90000046  }
0xb4: {  	s29 =	simm.s32 $0x9;
	_ =	strace $0x80000048  }
0xb5: {  	_ =	swait.ge [sflag:s29], $0x1  }
0xb6: {  	[sflag:s29] =	ssyncadd.s32 $0xFFFFFFFF  }
0xb7: {  	_ =	strace $0x90000048  }
0xb8: {  	_ =	sfence  }
0xb9: {  	s30 =	sld [smem:$0x0];
	_ =	sdelay $0x2  }
0xba: {  	s31 =	sshll.u32 s1, $0xD;
	s1 =	sshrl.u32 s1, $0x2  }
0xbb: {  	s3 =	sand.u32 $0x4000, s31;
	s1 =	sadd.s32 s1, s30  }
0xbc: {  	s0 =	sor.u32 s3, s0;
	s1 =	sshll.u32 s1, $0x11  }
0xbd: {  	s0 =	sor.u32 s1, s0  }
0xbe: {  	s0 =	sadd.s32 $0x8F2B, s0  }
0xbf: {  	[sflag:s0] =	ssyncadd.remote.s32 $0x1  }
0xc0: {  	_ =	sfence.sel $0xFFFF  }
0xc1: {  	[dreg:$0x0] =	wrdreg $0xFFFFFFFF;
	(pc) =	sbr.abs _section_cstart, $3  }
0xc2: {  	[dreg:$0x1] =	wrdreg $0xFFFFFFFF  }
0xc3: {  	_ =	task.clear_ibuf [dreg:s8], $0x2FFFF;
	_ =	strace $0x9FFFFFFF  }
0xc4: {  	(tm) =	ssettm $0x7FFFFFFF  }
0xc5: {  	_ =	shalt  }
tec
execute0_lowered:
.L_overlay_start_1:
0x0: {  	(tag) =	ssettag $0x1  }
0x1: {  	s1 =	rddreg [dreg:$0x0]  }
0x2: {  	s3 =	srdreg.scid;
	s2 =	rddreg [dreg:$0x1]  }
0x3: {  	s0 =	stileid.u32;
	s11 =	rddreg [dreg:$0x2]  }
0x4: {  	s14 =	simm.s32 $0x6400;
	s15 =	simm.s32 $0xA400;
	s17 =	simm.s32 $0xE400  }
0x5: {  	s18 =	simm.s32 $0x180;
	s19 =	simm.s32 $0x12400;
	s20 =	simm.s32 $0x1  }
0x6: {  	s21 =	simm.s32 $0x5;
	s22 =	simm.s32 $0x2;
	s8 =	smul.u32 $0x640000, s0  }
0x7: {  	s28 =	simm.s32 $0x8;
	s9 =	sand.u32 $0x1, s3;
	s26 =	smul.u32 $0xC8000, s0  }
0x8: {  	s29 =	simm.s32 $0x0;
	s23 =	sshll.u32 s0, $0x1;
	s13 =	smul.u32 $0x320000, s9  }
0x9: {  	s3 =	simm.s32 $0x0;
	s4 =	sor.u32 s9, s23;
	s30 =	smul.u32 $0x64000, s9  }
0xa: {  	[smem:$0x7FF] =	sst s3;
	s24 =	ssub.s32 $0x2, s9;
	s5 =	smul.u32 $0xC80, s4  }
0xb: {  	s23 =	simm.s32 $0x6;
	s4 =	smul.u32 $0x320000, s4;
	_ =	strace $0x80000047  }
0xc: {  	s6 =	sshrl.u32 s24, $0x1;
	s31 =	sadd.s32 s26, s11;
	s26 =	simm.s32 $0x4  }
0xd: {  	s10 =	ssub.s32 s24, s6;
	s25 =	sadd.s32 s13, s8;
	s13 =	simm.s32 $0x80  }
0xe: {  	s24 =	simm.s32 $0x3;
	s1 =	sadd.s32 s5, s1;
	s4 =	sshrl.u32 s4, $0x3  }
0xf: {  	s9 =	smax.u32 s10, $0x1;
	s12 =	sadd.s32 s11, s4;
	s4 =	sadd.s32 $0x400, s1  }
0x10: {  	s1 =	sshrl.u32 s25, $0x3;
	s25 =	simm.s32 $0x7;
	s5 =	sadd.s32 $0x62000, s12  }
0x11: {  	s6 =	sadd.s32 $0x62800, s12;
	s7 =	sadd.s32 $0x63000, s12;
	s8 =	sadd.s32 $0x63800, s12  }
0x12: {  	s10 =	sadd.s32 s1, s11;
	s11 =	sadd.s32 s30, s31;
	s12 =	simm.s32 $0x9  }
.LBB2_1:
0x13: {  	[tilespmem:s3], [sflag:$0x9] =	stream.linear.gather [hbm4b:s4+s3], $0x6400, $0x38;
	[tilespmem:$0x16400] =	vst v63  }
0x14: {  	_ =	swait.ge [sflag:s12], $0x6400  }
0x15: {  	[sflag:s12] =	ssyncset.done $0x0  }
0x16: {  	[sflag:s12] =	ssyncadd.s32 $0xFFFF9C00  }
0x17: {  	[tilespmem:s14], [sflag:$0x1] =	stream.indirect.gather [hbm4b:s2+s13], $0x80, s3, s13, $0xb8;
	[tilespmem:$0x16400] =	vst v63  }
0x18: {  	_ = 	snop  }
0x19: {  	[tilespmem:s15], [sflag:$0x2] =	stream.indirect.gather [hbm4b:s2+s13], $0x80, s13, s13, $0xb8;
	[tilespmem:$0x16400] =	vst v63  }
0x1a: {  	s0 =	simm.s32 $0x100  }
0x1b: {  	[tilespmem:s17], [sflag:$0x3] =	stream.indirect.gather [hbm4b:s2+s13], $0x80, s0, s13, $0xb8;
	[tilespmem:$0x16400] =	vst v63  }
0x1c: {  	_ = 	snop  }
0x1d: {  	[tilespmem:s19], [sflag:$0x4] =	stream.indirect.gather [hbm4b:s2+s13], $0x80, s18, s13, $0xb8;
	[tilespmem:$0x16400] =	vst v63  }
0x1e: {  	_ =	swait.ge [sflag:s20], $0x4000  }
0x1f: {  	[sflag:s20] =	ssyncset.done $0x0  }
0x20: {  	s1 =	sadd.s32 $0x0, s10;
	[sflag:s20] =	ssyncadd.s32 $0xFFFFC000  }
0x21: {  	[hbm4b:s1+s3] =	stream.linear.scatter [tilespmem:s14], [sflag:$0x5], $0x4000, $0x38;
	[tilespmem:$0x16400] =	vst v63  }
0x22: {  	_ =	swait.ge [sflag:s21], $0x4000  }
0x23: {  	[sflag:s21] =	ssyncset.done $0x0  }
0x24: {  	s0 =	simm.s32 $0x200;
	[sflag:s21] =	ssyncadd.s32 $0xFFFFC000  }
0x25: {  	[tilespmem:s14], [sflag:$0x1] =	stream.indirect.gather [hbm4b:s2+s13], $0x80, s0, s13, $0xb8;
	[tilespmem:$0x16400] =	vst v63  }
0x26: {  	_ =	swait.ge [sflag:s22], $0x4000  }
0x27: {  	s16 =	sadd.s32 $0x0, s11;
	[sflag:s22] =	ssyncset.done $0x0  }
0x28: {  	s30 =	sadd.s32 $0x800, s16;
	[sflag:s22] =	ssyncadd.s32 $0xFFFFC000  }
0x29: {  	[hbm4b:s30+s3] =	stream.linear.scatter [tilespmem:s15], [sflag:$0x6], $0x4000, $0x38;
	[tilespmem:$0x16400] =	vst v63  }
0x2a: {  	_ =	swait.ge [sflag:s23], $0x4000  }
0x2b: {  	[sflag:s23] =	ssyncset.done $0x0  }
0x2c: {  	s30 =	simm.s32 $0x280;
	[sflag:s23] =	ssyncadd.s32 $0xFFFFC000  }
0x2d: {  	[tilespmem:s15], [sflag:$0x2] =	stream.indirect.gather [hbm4b:s2+s13], $0x80, s30, s13, $0xb8;
	[tilespmem:$0x16400] =	vst v63  }
0x2e: {  	_ =	swait.ge [sflag:s24], $0x4000  }
0x2f: {  	[sflag:s24] =	ssyncset.done $0x0  }
0x30: {  	s30 =	sadd.s32 $0x1000, s16;
	[sflag:s24] =	ssyncadd.s32 $0xFFFFC000  }
0x31: {  	[hbm4b:s30+s3] =	stream.linear.scatter [tilespmem:s17], [sflag:$0x7], $0x4000, $0x38;
	[tilespmem:$0x16400] =	vst v63  }
0x32: {  	_ =	swait.ge [sflag:s25], $0x4000  }
0x33: {  	[sflag:s25] =	ssyncset.done $0x0  }
0x34: {  	s30 =	simm.s32 $0x300;
	[sflag:s25] =	ssyncadd.s32 $0xFFFFC000  }
0x35: {  	[tilespmem:s17], [sflag:$0x3] =	stream.indirect.gather [hbm4b:s2+s13], $0x80, s30, s13, $0xb8;
	[tilespmem:$0x16400] =	vst v63  }
0x36: {  	_ =	swait.ge [sflag:s26], $0x4000  }
0x37: {  	[sflag:s26] =	ssyncset.done $0x0  }
0x38: {  	s1 =	sadd.s32 $0x1800, s16;
	[sflag:s26] =	ssyncadd.s32 $0xFFFFC000  }
0x39: {  	[hbm4b:s1+s3] =	stream.linear.scatter [tilespmem:s19], [sflag:$0x8], $0x4000, $0x38;
	[tilespmem:$0x16400] =	vst v63  }
0x3a: {  	_ =	swait.ge [sflag:s28], $0x4000  }
0x3b: {  	s31 =	simm.s32 $0x2000;
	[sflag:s28] =	ssyncset.done $0x0  }
0x3c: {  	s30 =	simm.s32 $0x380;
	s1 =	simm.s32 $0x580;
	[sflag:s28] =	ssyncadd.s32 $0xFFFFC000  }
.LBB2_2:
0x3d: {  	[tilespmem:s19], [sflag:$0x4] =	stream.indirect.gather [hbm4b:s2+s13], $0x80, s30, s13, $0xb8;
	[tilespmem:$0x16400] =	vst v63  }
0x3e: {  	s0 =	smov.u32 s31;
	s30 =	smov.u32 s1  }
0x3f: {  	p0 =	sne.s32 s31, $0x60000;
	s31 =	sadd.s32 $0x2000, s31;
	_ =	swait.ge [sflag:s20], $0x4000  }
0x40: {  	[sflag:s20] =	ssyncset.done $0x0  }
0x41: {  	s16 =	sadd.s32 s0, s10;
	[sflag:s20] =	ssyncadd.s32 $0xFFFFC000  }
0x42: {  	[hbm4b:s16+s3] =	stream.linear.scatter [tilespmem:s14], [sflag:$0x5], $0x4000, $0x38;
	[tilespmem:$0x16400] =	vst v63  }
0x43: {  	_ =	swait.ge [sflag:s21], $0x4000  }
0x44: {  	[sflag:s21] =	ssyncset.done $0x0  }
0x45: {  	s16 =	sadd.s32 $0xFFFFFE80, s1;
	[sflag:s21] =	ssyncadd.s32 $0xFFFFC000  }
0x46: {  	[tilespmem:s14], [sflag:$0x1] =	stream.indirect.gather [hbm4b:s2+s13], $0x80, s16, s13, $0xb8;
	[tilespmem:$0x16400] =	vst v63  }
0x47: {  	_ =	swait.ge [sflag:s22], $0x4000  }
0x48: {  	s0 =	sadd.s32 s0, s11;
	[sflag:s22] =	ssyncset.done $0x0  }
0x49: {  	s16 =	sadd.s32 $0x800, s0;
	[sflag:s22] =	ssyncadd.s32 $0xFFFFC000  }
0x4a: {  	[hbm4b:s16+s3] =	stream.linear.scatter [tilespmem:s15], [sflag:$0x6], $0x4000, $0x38;
	[tilespmem:$0x16400] =	vst v63  }
0x4b: {  	_ =	swait.ge [sflag:s23], $0x4000  }
0x4c: {  	[sflag:s23] =	ssyncset.done $0x0  }
0x4d: {  	s16 =	sadd.s32 $0xFFFFFF00, s1;
	[sflag:s23] =	ssyncadd.s32 $0xFFFFC000  }
0x4e: {  	[tilespmem:s15], [sflag:$0x2] =	stream.indirect.gather [hbm4b:s2+s13], $0x80, s16, s13, $0xb8;
	[tilespmem:$0x16400] =	vst v63  }
0x4f: {  	_ =	swait.ge [sflag:s24], $0x4000  }
0x50: {  	[sflag:s24] =	ssyncset.done $0x0  }
0x51: {  	s16 =	sadd.s32 $0x1000, s0;
	[sflag:s24] =	ssyncadd.s32 $0xFFFFC000  }
0x52: {  	[hbm4b:s16+s3] =	stream.linear.scatter [tilespmem:s17], [sflag:$0x7], $0x4000, $0x38;
	[tilespmem:$0x16400] =	vst v63  }
0x53: {  	_ =	swait.ge [sflag:s25], $0x4000  }
0x54: {  	[sflag:s25] =	ssyncset.done $0x0  }
0x55: {  	s16 =	sadd.s32 $0xFFFFFF80, s1;
	[sflag:s25] =	ssyncadd.s32 $0xFFFFC000  }
0x56: {  	[tilespmem:s17], [sflag:$0x3] =	stream.indirect.gather [hbm4b:s2+s13], $0x80, s16, s13, $0xb8;
	[tilespmem:$0x16400] =	vst v63  }
0x57: {  	_ =	swait.ge [sflag:s26], $0x4000  }
0x58: {  	[sflag:s26] =	ssyncset.done $0x0  }
.Ltmp0:
0x59: {  	s0 =	sadd.s32 $0x1800, s0;
	[sflag:s26] =	ssyncadd.s32 $0xFFFFC000;
	(pc) =	sbr.rel @p0 .LBB2_2-.Ltmp0, $4  }
0x5a: {  	[hbm4b:s0+s3] =	stream.linear.scatter [tilespmem:s19], [sflag:$0x8], $0x4000, $0x38;
	[tilespmem:$0x16400] =	vst v63  }
0x5b: {  	_ =	swait.ge [sflag:s28], $0x4000  }
0x5c: {  	[sflag:s28] =	ssyncset.done $0x0  }
0x5d: {  	s1 =	sadd.s32 $0x200, s1;
	[sflag:s28] =	ssyncadd.s32 $0xFFFFC000  }
0x5e: {  	[tilespmem:s19], [sflag:$0x4] =	stream.indirect.gather [hbm4b:s2+s13], $0x80, s30, s13, $0xb8;
	[tilespmem:$0x16400] =	vst v63  }
0x5f: {  	_ =	swait.ge [sflag:s20], $0x4000  }
0x60: {  	[sflag:s20] =	ssyncset.done $0x0  }
0x61: {  	[sflag:s20] =	ssyncadd.s32 $0xFFFFC000  }
0x62: {  	[hbm4b:s5+s3] =	stream.linear.scatter [tilespmem:s14], [sflag:$0x5], $0x4000, $0x38;
	[tilespmem:$0x16400] =	vst v63  }
0x63: {  	_ =	swait.ge [sflag:s22], $0x4000  }
0x64: {  	[sflag:s22] =	ssyncset.done $0x0  }
0x65: {  	[sflag:s22] =	ssyncadd.s32 $0xFFFFC000  }
0x66: {  	[hbm4b:s6+s3] =	stream.linear.scatter [tilespmem:s15], [sflag:$0x6], $0x4000, $0x38;
	[tilespmem:$0x16400] =	vst v63  }
0x67: {  	_ =	swait.ge [sflag:s24], $0x4000  }
0x68: {  	[sflag:s24] =	ssyncset.done $0x0  }
0x69: {  	[sflag:s24] =	ssyncadd.s32 $0xFFFFC000  }
0x6a: {  	[hbm4b:s7+s3] =	stream.linear.scatter [tilespmem:s17], [sflag:$0x7], $0x4000, $0x38;
	[tilespmem:$0x16400] =	vst v63  }
0x6b: {  	_ =	swait.ge [sflag:s26], $0x4000  }
0x6c: {  	[sflag:s26] =	ssyncset.done $0x0  }
0x6d: {  	[sflag:s26] =	ssyncadd.s32 $0xFFFFC000  }
0x6e: {  	[hbm4b:s8+s3] =	stream.linear.scatter [tilespmem:s19], [sflag:$0x8], $0x4000, $0x38;
	[tilespmem:$0x16400] =	vst v63  }
0x6f: {  	_ =	swait.ge [sflag:s21], $0x4000  }
0x70: {  	[sflag:s21] =	ssyncset.done $0x0  }
0x71: {  	[sflag:s21] =	ssyncadd.s32 $0xFFFFC000  }
0x72: {  	_ =	swait.ge [sflag:s23], $0x4000  }
0x73: {  	[sflag:s23] =	ssyncset.done $0x0  }
0x74: {  	s29 =	sadd.s32 $0x1, s29;
	[sflag:s23] =	ssyncadd.s32 $0xFFFFC000  }
0x75: {  	p0 =	sne.s32 s29, s9;
	_ =	swait.ge [sflag:s25], $0x4000  }
.Ltmp1:
0x76: {  	[sflag:s25] =	ssyncset.done $0x0;
	(pc) =	sbr.rel @p0 .LBB2_1-.Ltmp1, $4  }
0x77: {  	[sflag:s25] =	ssyncadd.s32 $0xFFFFC000  }
0x78: {  	_ =	swait.ge [sflag:s28], $0x4000  }
0x79: {  	[sflag:s28] =	ssyncset.done $0x0  }
0x7a: {  	[sflag:s28] =	ssyncadd.s32 $0xFFFFC000  }
0x7b: {  	_ =	sfence.sel $0x180000  }
0x7c: {  	[bflag:$0x0] =	sbarrier.arrive $0xFFFF  }
0x7d: {  	_ =	strace $0x90000047  }
0x7e: {  	s0 =	stileid.u32;
	[bflag:$0x2] =	sbarrier.arrive $0xFFFF  }
0x7f: {  	p0 =	sne.s32 s0, $0x0;
	s0 =	rddreg [dreg:$0x3]  }
0x80: {  	s0 =	sadd.s32 @!p0 $0x100000, s0  }
0x81: {  	[sflag:s0] =	ssyncadd.tile.s32 @!p0 $0x1;
	_ =	shalt  }
.Lfunc_end2:
_tile_overlayer_lowered:
.L_overlay_start_2:
0x82: {  	(tag) =	ssettag $0x2  }
0x83: {  	s0 =	rddreg [dreg:$0x0];
	s2 =	stileid.u32  }
0x84: {  	s1 =	rddreg [dreg:$0x1];
	p0 =	sne.s32 s2, $0x0  }
0x85: {  	s3 =	rddreg [dreg:$0x2];
	[bflag:$0x3] =	sbarrier.arrive $0xFFFF;
	s2 =	simm.s32 @!p0 $0x1C09  }
0x86: {  	[timem:s3], [sflag:s2] =	dma.local @!p0 [hbm:s0], s1  }
0x87: {  	s0 =	simm.s32 @!p0 $0x9  }
0x88: {  	_ =	swait.ge @!p0 [sflag:s0], s1  }
0x89: {  	s1 =	ssub.s32 @!p0 $0x0, s1;
	[sflag:s0] =	ssyncset.done @!p0 $0x0  }
0x8a: {  	[sflag:s0] =	ssyncadd.s32 @!p0 s1  }
0x8b: {  	[bflag:$0x3] =	sbarrier.arrive $0xFFFF  }
0x8c: {  	_ =	shalt  }

</sc_bundles>
